<compile_context>
chip_gen: v7x
topology: tpu7x:2x2x1
jax: 0.10.2.dev20260603
libtpu: 0.0.44.dev20260713+nightly
codegen_flags: <defaults>
</compile_context>

<pallas_src>
import functools

import jax
import jax.numpy as jnp
from jax import lax
from jax.experimental import pallas as pl
from jax.experimental.pallas import tpu as pltpu
from jax.experimental.pallas import tpu_sc as plsc

_SC_NC = 2
_SC_NS = 16
_SC_NW = _SC_NC * _SC_NS

NUM_CORR = 256
EPS = 1e-08
BIG = 3.0e38


def _tile_top2_axis0(dist, row, nrow):
    fnrow = float(nrow)
    d0 = jnp.min(dist, axis=0)
    a0 = jnp.min(jnp.where(dist == d0[None, :], row, fnrow), axis=0)
    dist_m = jnp.where(row == a0[None, :], BIG, dist)
    d1 = jnp.min(dist_m, axis=0)
    a1 = jnp.min(jnp.where(dist_m == d1[None, :], row, fnrow), axis=0)
    return d0, d1, a0, a1


def _merge_top2(ad0, ad1, ai0, ai1, td0, td1, ti0, ti1):
    a_first = ad0 <= td0
    d0 = jnp.where(a_first, ad0, td0)
    i0 = jnp.where(a_first, ai0, ti0)
    loser_d = jnp.where(a_first, td0, ad0)
    loser_i = jnp.where(a_first, ti0, ai0)
    inner_a = ad1 <= td1
    inner_d = jnp.where(inner_a, ad1, td1)
    inner_i = jnp.where(inner_a, ai1, ti1)
    take_loser = loser_d <= inner_d
    d1 = jnp.where(take_loser, loser_d, inner_d)
    i1 = jnp.where(take_loser, loser_i, inner_i)
    return d0, d1, i0, i1


def _stage1_body(qn_ref, st_ref, qsq_row_ref, ssq_row_ref,
                 qsq_col_ref, ssq_col_ref, row1_ref, row2_ref,
                 ridx_ref, cidx_ref,
                 racc_ref, ridx_acc_ref, cacc_ref, cidx_acc_ref,
                 *, bm, bn, nj, ni, m):
    i = pl.program_id(0)
    j = pl.program_id(1)
    qn = qn_ref[...]
    st = st_ref[...]
    dotn = jax.lax.dot_general(qn, st, (((1,), (0,)), ((), ())),
                               preferred_element_type=jnp.float32)
    dotn_t = jax.lax.dot_general(st, qn, (((0,), (1,)), ((), ())),
                                 preferred_element_type=jnp.float32)
    qsq_row = qsq_row_ref[...]
    ssq_row = ssq_row_ref[...]
    qsq_col = qsq_col_ref[...]
    ssq_col = ssq_col_ref[...]
    dist1 = (qsq_row + dotn_t) + ssq_col
    dist2 = (ssq_row + dotn) + qsq_col

    td0, td1, ta0, ta1 = _tile_top2_axis0(dist1, row1_ref[...], bn)
    ta0 = ta0 + j * bn
    ta1 = ta1 + j * bn
    ad0 = jnp.where(j == 0, BIG, racc_ref[0, :])
    ad1 = jnp.where(j == 0, BIG, racc_ref[1, :])
    ai0 = jnp.where(j == 0, 0.0, ridx_acc_ref[0, :])
    ai1 = jnp.where(j == 0, 0.0, ridx_acc_ref[1, :])
    d0, d1, i0, i1 = _merge_top2(ad0, ad1, ai0, ai1, td0, td1, ta0, ta1)
    racc_ref[0, :] = d0
    racc_ref[1, :] = d1
    ridx_acc_ref[0, :] = i0
    ridx_acc_ref[1, :] = i1

    @pl.when(j == nj - 1)
    def _finalize_rows():
        ridx_ref[0, :] = i0.astype(jnp.int32)
        ridx_ref[1, :] = i1.astype(jnp.int32)

    td0c, td1c, ta0c, ta1c = _tile_top2_axis0(dist2, row2_ref[...], bm)
    ta0c = ta0c + i * bm
    ta1c = ta1c + i * bm
    jc = pl.ds(pl.multiple_of(j * bn, bn), bn)
    ad0c = jnp.where(i == 0, BIG, cacc_ref[0, jc])
    ad1c = jnp.where(i == 0, BIG, cacc_ref[1, jc])
    ai0c = jnp.where(i == 0, 0.0, cidx_acc_ref[0, jc])
    ai1c = jnp.where(i == 0, 0.0, cidx_acc_ref[1, jc])
    d0c, d1c, i0c, i1c = _merge_top2(ad0c, ad1c, ai0c, ai1c,
                                     td0c, td1c, ta0c, ta1c)
    cacc_ref[0, jc] = d0c
    cacc_ref[1, jc] = d1c
    cidx_acc_ref[0, jc] = i0c
    cidx_acc_ref[1, jc] = i1c

    @pl.when(i == ni - 1)
    def _finalize_cols():
        cidx_ref[0, jc] = i0c.astype(jnp.int32)
        cidx_ref[1, jc] = i1c.astype(jnp.int32)


def _stage1(qn_feats, st_feats, qsq, ssq, bm=512, bn=1024):
    n, c = qn_feats.shape
    m = st_feats.shape[1]
    ni, nj = n // bm, m // bn
    body = functools.partial(_stage1_body, bm=bm, bn=bn, nj=nj, ni=ni, m=m)
    ridx, cidx = pl.pallas_call(
        body,
        grid=(ni, nj),
        in_specs=[
            pl.BlockSpec((bm, c), lambda i, j: (i, 0)),
            pl.BlockSpec((c, bn), lambda i, j: (0, j)),
            pl.BlockSpec((1, bm), lambda i, j: (0, i)),
            pl.BlockSpec((1, bn), lambda i, j: (0, j)),
            pl.BlockSpec((bm, 1), lambda i, j: (i, 0)),
            pl.BlockSpec((bn, 1), lambda i, j: (j, 0)),
            pl.BlockSpec((bn, 1), lambda i, j: (0, 0)),
            pl.BlockSpec((bm, 1), lambda i, j: (0, 0)),
        ],
        out_specs=[
            pl.BlockSpec((2, bm), lambda i, j: (0, i)),
            pl.BlockSpec((2, m), lambda i, j: (0, 0)),
        ],
        out_shape=[
            jax.ShapeDtypeStruct((2, n), jnp.int32),
            jax.ShapeDtypeStruct((2, m), jnp.int32),
        ],
        scratch_shapes=[
            pltpu.VMEM((2, bm), jnp.float32),
            pltpu.VMEM((2, bm), jnp.float32),
            pltpu.VMEM((2, m), jnp.float32),
            pltpu.VMEM((2, m), jnp.float32),
        ],
    )(qn_feats, st_feats, qsq[None, :], ssq[None, :],
      qsq[:, None], ssq[:, None],
      jnp.arange(bn, dtype=jnp.float32)[:, None],
      jnp.arange(bm, dtype=jnp.float32)[:, None])
    return ridx.T, cidx.T


def _gather_corr_feats_sc(src_feats, tgt_feats, idx_src, idx_tgt):
    b, d = idx_src.shape[0], src_feats.shape[1]
    bw = b // _SC_NW
    mesh = plsc.VectorSubcoreMesh(core_axis_name="c", subcore_axis_name="s",
                                  num_cores=_SC_NC, num_subcores=_SC_NS)

    @functools.partial(
        pl.kernel, mesh=mesh,
        out_type=[jax.ShapeDtypeStruct((b, d), jnp.float32),
                  jax.ShapeDtypeStruct((b, d), jnp.float32)],
        scratch_types=[
            pltpu.VMEM((bw,), jnp.int32),
            pltpu.VMEM((bw,), jnp.int32),
            pltpu.VMEM((bw, d), jnp.float32),
            pltpu.VMEM((bw, d), jnp.float32),
            pltpu.SemaphoreType.DMA,
        ],
    )
    def k(sfeat_hbm, tfeat_hbm, isrc_hbm, itgt_hbm, osrc_hbm, otgt_hbm,
          isrc_v, itgt_v, srows_v, trows_v, sem):
        wid = lax.axis_index("s") * _SC_NC + lax.axis_index("c")
        base = wid * bw
        pltpu.sync_copy(isrc_hbm.at[pl.ds(base, bw)], isrc_v)
        pltpu.sync_copy(itgt_hbm.at[pl.ds(base, bw)], itgt_v)
        cp_s = pltpu.async_copy(sfeat_hbm.at[isrc_v], srows_v, sem)
        cp_t = pltpu.async_copy(tfeat_hbm.at[itgt_v], trows_v, sem)
        cp_s.wait()
        cp_t.wait()
        pltpu.sync_copy(srows_v, osrc_hbm.at[pl.ds(base, bw)])
        pltpu.sync_copy(trows_v, otgt_hbm.at[pl.ds(base, bw)])

    return k(src_feats, tgt_feats, idx_src, idx_tgt)


def _select_side(knn_indices, q_feats, s_feats):
    knn_feats = jnp.take(s_feats, knn_indices, axis=0)
    knn_similarities = 1.0 - jnp.sum(
        knn_feats * q_feats[:, None, :], axis=-1)
    weights = 1.0 - knn_similarities[:, 0] / (knn_similarities[:, 1] + EPS)
    _, q_corr = jax.lax.top_k(weights, NUM_CORR)
    s_corr = knn_indices[q_corr, 0]
    return q_corr, s_corr, weights[q_corr]


def kernel(src_points, tgt_points, src_feats, tgt_feats):
    st = tgt_feats.T
    qn = src_feats * -2.0
    qsq = jnp.sum(src_feats ** 2, axis=1)
    ssq = jnp.sum(tgt_feats ** 2, axis=1)
    ridx, cidx = _stage1(qn, st, qsq, ssq)
    q1, s1, w1 = _select_side(ridx, src_feats, tgt_feats)
    q2, s2, w2 = _select_side(cidx, tgt_feats, src_feats)
    idx_src = jnp.concatenate([q1, s2], axis=0)
    idx_tgt = jnp.concatenate([s1, q2], axis=0)
    src_corr_feats, tgt_corr_feats = _gather_corr_feats_sc(
        src_feats, tgt_feats, idx_src, idx_tgt)
    src_corr_points = src_points[idx_src]
    tgt_corr_points = tgt_points[idx_tgt]
    corr_weights = jnp.concatenate([w1, w2], axis=0)
    return (src_corr_points, tgt_corr_points, src_corr_feats,
            tgt_corr_feats, corr_weights)

# --- scband reference (transcript-rebuilt; emitter-appended) ---
"""Pipeline reference for scband-correspondence-extractor-2173253452295 (READ-ONLY COPY).

The authoritative reference and input builder live on the scoring server;
editing this copy changes nothing except your own understanding.
"""

import jax, jax.numpy as jnp
import numpy as np

NUM_CORRESPONDENCES = 256
EPS = 1e-08


def knn(q_feats, s_feats, k):
    # squared Euclidean pairwise distance, take k smallest
    dist = (jnp.sum(q_feats ** 2, axis=1, keepdims=True)
            - 2.0 * (q_feats @ s_feats.T)
            + jnp.sum(s_feats ** 2, axis=1)[None, :])
    _, idx = jax.lax.top_k(-dist, k)
    return idx


def match_one_side(q_points, s_points, q_feats, s_feats):
    knn_indices = knn(q_feats, s_feats, 2)                       # (N, 2)
    knn_feats = jnp.take(s_feats, knn_indices, axis=0)           # (N, 2, C)
    knn_similarities = 1.0 - jnp.sum(knn_feats * q_feats[:, None, :], axis=-1)  # (N, 2)
    weights = 1.0 - knn_similarities[:, 0] / (knn_similarities[:, 1] + EPS)     # (N,)
    _, q_corr_indices = jax.lax.top_k(weights, NUM_CORRESPONDENCES)
    s_corr_indices = knn_indices[q_corr_indices, 0]
    q_corr_points = q_points[q_corr_indices]
    s_corr_points = s_points[s_corr_indices]
    q_corr_feats = q_feats[q_corr_indices]
    s_corr_feats = s_feats[s_corr_indices]
    corr_weights = weights[q_corr_indices]
    return (q_corr_points, s_corr_points, q_corr_feats, s_corr_feats, corr_weights)


def setup_inputs(seed: int = 0) -> dict:
    key = jax.random.key(seed)
    k1, k2, k3, k4 = jax.random.split(key, 4)
    N, M, C = 16384, 16384, 256
    src_points = jax.random.normal(k1, (N, 3), dtype=jnp.float32)
    tgt_points = jax.random.normal(k2, (M, 3), dtype=jnp.float32)
    src_feats = jax.random.normal(k3, (N, C), dtype=jnp.float32)
    tgt_feats = jax.random.normal(k4, (M, C), dtype=jnp.float32)
    return {"src_points": src_points, "tgt_points": tgt_points,
            "src_feats": src_feats, "tgt_feats": tgt_feats}


def reference(src_points, tgt_points, src_feats, tgt_feats):
    (src_corr_points_1, tgt_corr_points_1, src_corr_feats_1,
     tgt_corr_feats_1, corr_weights_1) = match_one_side(src_points, tgt_points, src_feats, tgt_feats)
    (tgt_corr_points_2, src_corr_points_2, tgt_corr_feats_2,
     src_corr_feats_2, corr_weights_2) = match_one_side(tgt_points, src_points, tgt_feats, src_feats)
    src_corr_points = jnp.concatenate([src_corr_points_1, src_corr_points_2], axis=0)
    tgt_corr_points = jnp.concatenate([tgt_corr_points_1, tgt_corr_points_2], axis=0)
    src_corr_feats = jnp.concatenate([src_corr_feats_1, src_corr_feats_2], axis=0)
    tgt_corr_feats = jnp.concatenate([tgt_corr_feats_1, tgt_corr_feats_2], axis=0)
    corr_weights = jnp.concatenate([corr_weights_1, corr_weights_2], axis=0)
    return (src_corr_points, tgt_corr_points, src_corr_feats, tgt_corr_feats, corr_weights)

if __name__ == "__main__":
    import jax
    _d = setup_inputs()
    print(jax.jit(kernel)(*tuple(_d.values())))

</pallas_src>

<mosaic_0001>
#map = affine_map<(d0, d1) -> (0, 0)>
#map1 = affine_map<(d0, d1) -> (0)>
module attributes {stable_mosaic.version = 14 : i64} {
  func.func @k(%arg0: i32, %arg1: i32, %arg2: memref<16384x256xf32, #tpu.memory_space<hbm>>, %arg3: memref<16384x256xf32, #tpu.memory_space<hbm>>, %arg4: memref<512xi32, #tpu.memory_space<hbm>>, %arg5: memref<512xi32, #tpu.memory_space<hbm>>, %arg6: memref<512x256xf32, #tpu.memory_space<hbm>>, %arg7: memref<512x256xf32, #tpu.memory_space<hbm>>, %arg8: memref<16xi32, #tpu.memory_space<vmem>>, %arg9: memref<16xi32, #tpu.memory_space<vmem>>, %arg10: memref<16x256xf32, #tpu.memory_space<vmem>>, %arg11: memref<16x256xf32, #tpu.memory_space<vmem>>, %arg12: memref<!tpu.dma_semaphore, #tpu.memory_space<semaphore_mem>>) attributes {dimension_semantics = [#tpu.dimension_semantics<core_parallel>, #tpu.dimension_semantics<subcore_parallel>], iteration_bounds = array<i64: 2, 16>, scalar_prefetch = 0 : i64, scratch_operands = 5 : i64, tpu.core_type = #tpu.core_type<sc_vector_subcore>, window_params = [{transform_indices = #map}, {transform_indices = #map}, {transform_indices = #map1}, {transform_indices = #map1}, {transform_indices = #map}, {transform_indices = #map}]} {
    %mul3A = arith.constant 2 : i32
    %mul3A_0 = arith.muli %arg1, %mul3A : i32
    %add3A = arith.addi %mul3A_0, %arg0 : i32
    %mul3A_1 = arith.constant 16 : i32
    %mul3A_2 = arith.muli %add3A, %mul3A_1 : i32
    "tpu.region"() ({
      %run_scoped3A = tpu.sem_alloc : memref<!tpu.dma_semaphore, #tpu.memory_space<semaphore_mem>>
      %dma_start3A_13 = tpu.memref_slice %arg4[%mul3A_2] : memref<512xi32, #tpu.memory_space<hbm>> -> memref<16xi32, #tpu.memory_space<hbm>>
      %dma_start3A_14 = tpu.memref_slice %arg4[%mul3A_2] : memref<512xi32, #tpu.memory_space<hbm>> -> memref<16xi32, #tpu.memory_space<hbm>>
      tpu.enqueue_dma source(%dma_start3A_14 : memref<16xi32, #tpu.memory_space<hbm>>) target(%arg8 : memref<16xi32, #tpu.memory_space<vmem>>) target_semaphore(%run_scoped3A : memref<!tpu.dma_semaphore, #tpu.memory_space<semaphore_mem>>)
      %dma_wait3A_15 = tpu.memref_slice %arg4[%mul3A_2] : memref<512xi32, #tpu.memory_space<hbm>> -> memref<16xi32, #tpu.memory_space<hbm>>
      %dma_wait3A_16 = tpu.memref_slice %arg4[%mul3A_2] : memref<512xi32, #tpu.memory_space<hbm>> -> memref<16xi32, #tpu.memory_space<hbm>>
      tpu.wait_dma2 semaphore(%run_scoped3A : memref<!tpu.dma_semaphore, #tpu.memory_space<semaphore_mem>>) src(%dma_wait3A_16 : memref<16xi32, #tpu.memory_space<hbm>>) dst(%arg8 : memref<16xi32, #tpu.memory_space<vmem>>)
      tpu.yield
    }) : () -> ()
    "tpu.region"() ({
      %run_scoped3A = tpu.sem_alloc : memref<!tpu.dma_semaphore, #tpu.memory_space<semaphore_mem>>
      %dma_start3A_13 = tpu.memref_slice %arg5[%mul3A_2] : memref<512xi32, #tpu.memory_space<hbm>> -> memref<16xi32, #tpu.memory_space<hbm>>
      %dma_start3A_14 = tpu.memref_slice %arg5[%mul3A_2] : memref<512xi32, #tpu.memory_space<hbm>> -> memref<16xi32, #tpu.memory_space<hbm>>
      tpu.enqueue_dma source(%dma_start3A_14 : memref<16xi32, #tpu.memory_space<hbm>>) target(%arg9 : memref<16xi32, #tpu.memory_space<vmem>>) target_semaphore(%run_scoped3A : memref<!tpu.dma_semaphore, #tpu.memory_space<semaphore_mem>>)
      %dma_wait3A_15 = tpu.memref_slice %arg5[%mul3A_2] : memref<512xi32, #tpu.memory_space<hbm>> -> memref<16xi32, #tpu.memory_space<hbm>>
      %dma_wait3A_16 = tpu.memref_slice %arg5[%mul3A_2] : memref<512xi32, #tpu.memory_space<hbm>> -> memref<16xi32, #tpu.memory_space<hbm>>
      tpu.wait_dma2 semaphore(%run_scoped3A : memref<!tpu.dma_semaphore, #tpu.memory_space<semaphore_mem>>) src(%dma_wait3A_16 : memref<16xi32, #tpu.memory_space<hbm>>) dst(%arg9 : memref<16xi32, #tpu.memory_space<vmem>>)
      tpu.yield
    }) : () -> ()
    %dma_start3A = arith.constant 0 : i32
    %dma_start3A_3 = arith.constant 0 : i32
    %dma_start3A_4 = tpu.memref_slice %arg2[%dma_start3A, %dma_start3A_3] : memref<16384x256xf32, #tpu.memory_space<hbm>> -> memref<16384x256xf32, #tpu.memory_space<hbm>>
    tpu.enqueue_indirect_dma source(%dma_start3A_4 : memref<16384x256xf32, #tpu.memory_space<hbm>>) target(%arg10 : memref<16x256xf32, #tpu.memory_space<vmem>>) offsets(%arg8 : memref<16xi32, #tpu.memory_space<vmem>>) semaphore(%arg12 : memref<!tpu.dma_semaphore, #tpu.memory_space<semaphore_mem>>)
    %dma_start3A_5 = arith.constant 0 : i32
    %dma_start3A_6 = arith.constant 0 : i32
    %dma_start3A_7 = tpu.memref_slice %arg3[%dma_start3A_5, %dma_start3A_6] : memref<16384x256xf32, #tpu.memory_space<hbm>> -> memref<16384x256xf32, #tpu.memory_space<hbm>>
    tpu.enqueue_indirect_dma source(%dma_start3A_7 : memref<16384x256xf32, #tpu.memory_space<hbm>>) target(%arg11 : memref<16x256xf32, #tpu.memory_space<vmem>>) offsets(%arg9 : memref<16xi32, #tpu.memory_space<vmem>>) semaphore(%arg12 : memref<!tpu.dma_semaphore, #tpu.memory_space<semaphore_mem>>)
    %dma_wait3A = arith.constant 0 : i32
    %dma_wait3A_8 = arith.constant 0 : i32
    %dma_wait3A_9 = tpu.memref_slice %arg2[%dma_wait3A, %dma_wait3A_8] : memref<16384x256xf32, #tpu.memory_space<hbm>> -> memref<16384x256xf32, #tpu.memory_space<hbm>>
    tpu.wait_indirect_dma semaphore(%arg12 : memref<!tpu.dma_semaphore, #tpu.memory_space<semaphore_mem>>) src(%dma_wait3A_9 : memref<16384x256xf32, #tpu.memory_space<hbm>>) dst(%arg10 : memref<16x256xf32, #tpu.memory_space<vmem>>)
    %dma_wait3A_10 = arith.constant 0 : i32
    %dma_wait3A_11 = arith.constant 0 : i32
    %dma_wait3A_12 = tpu.memref_slice %arg3[%dma_wait3A_10, %dma_wait3A_11] : memref<16384x256xf32, #tpu.memory_space<hbm>> -> memref<16384x256xf32, #tpu.memory_space<hbm>>
    tpu.wait_indirect_dma semaphore(%arg12 : memref<!tpu.dma_semaphore, #tpu.memory_space<semaphore_mem>>) src(%dma_wait3A_12 : memref<16384x256xf32, #tpu.memory_space<hbm>>) dst(%arg11 : memref<16x256xf32, #tpu.memory_space<vmem>>)
    "tpu.region"() ({
      %run_scoped3A = tpu.sem_alloc : memref<!tpu.dma_semaphore, #tpu.memory_space<semaphore_mem>>
      %dma_start3A_13 = arith.constant 0 : i32
      %dma_start3A_14 = tpu.memref_slice %arg6[%mul3A_2, %dma_start3A_13] : memref<512x256xf32, #tpu.memory_space<hbm>> -> memref<16x256xf32, #tpu.memory_space<hbm>>
      %dma_start3A_15 = arith.constant 0 : i32
      %dma_start3A_16 = tpu.memref_slice %arg6[%mul3A_2, %dma_start3A_15] : memref<512x256xf32, #tpu.memory_space<hbm>> -> memref<16x256xf32, #tpu.memory_space<hbm>>
      tpu.enqueue_dma source(%arg10 : memref<16x256xf32, #tpu.memory_space<vmem>>) target(%dma_start3A_16 : memref<16x256xf32, #tpu.memory_space<hbm>>) target_semaphore(%run_scoped3A : memref<!tpu.dma_semaphore, #tpu.memory_space<semaphore_mem>>)
      %dma_wait3A_17 = arith.constant 0 : i32
      %dma_wait3A_18 = tpu.memref_slice %arg6[%mul3A_2, %dma_wait3A_17] : memref<512x256xf32, #tpu.memory_space<hbm>> -> memref<16x256xf32, #tpu.memory_space<hbm>>
      %dma_wait3A_19 = arith.constant 0 : i32
      %dma_wait3A_20 = tpu.memref_slice %arg6[%mul3A_2, %dma_wait3A_19] : memref<512x256xf32, #tpu.memory_space<hbm>> -> memref<16x256xf32, #tpu.memory_space<hbm>>
      tpu.wait_dma2 semaphore(%run_scoped3A : memref<!tpu.dma_semaphore, #tpu.memory_space<semaphore_mem>>) src(%arg10 : memref<16x256xf32, #tpu.memory_space<vmem>>) dst(%dma_wait3A_20 : memref<16x256xf32, #tpu.memory_space<hbm>>)
      tpu.yield
    }) : () -> ()
    "tpu.region"() ({
      %run_scoped3A = tpu.sem_alloc : memref<!tpu.dma_semaphore, #tpu.memory_space<semaphore_mem>>
      %dma_start3A_13 = arith.constant 0 : i32
      %dma_start3A_14 = tpu.memref_slice %arg7[%mul3A_2, %dma_start3A_13] : memref<512x256xf32, #tpu.memory_space<hbm>> -> memref<16x256xf32, #tpu.memory_space<hbm>>
      %dma_start3A_15 = arith.constant 0 : i32
      %dma_start3A_16 = tpu.memref_slice %arg7[%mul3A_2, %dma_start3A_15] : memref<512x256xf32, #tpu.memory_space<hbm>> -> memref<16x256xf32, #tpu.memory_space<hbm>>
      tpu.enqueue_dma source(%arg11 : memref<16x256xf32, #tpu.memory_space<vmem>>) target(%dma_start3A_16 : memref<16x256xf32, #tpu.memory_space<hbm>>) target_semaphore(%run_scoped3A : memref<!tpu.dma_semaphore, #tpu.memory_space<semaphore_mem>>)
      %dma_wait3A_17 = arith.constant 0 : i32
      %dma_wait3A_18 = tpu.memref_slice %arg7[%mul3A_2, %dma_wait3A_17] : memref<512x256xf32, #tpu.memory_space<hbm>> -> memref<16x256xf32, #tpu.memory_space<hbm>>
      %dma_wait3A_19 = arith.constant 0 : i32
      %dma_wait3A_20 = tpu.memref_slice %arg7[%mul3A_2, %dma_wait3A_19] : memref<512x256xf32, #tpu.memory_space<hbm>> -> memref<16x256xf32, #tpu.memory_space<hbm>>
      tpu.wait_dma2 semaphore(%run_scoped3A : memref<!tpu.dma_semaphore, #tpu.memory_space<semaphore_mem>>) src(%arg11 : memref<16x256xf32, #tpu.memory_space<vmem>>) dst(%dma_wait3A_20 : memref<16x256xf32, #tpu.memory_space<hbm>>)
      tpu.yield
    }) : () -> ()
    return
  }
}

module attributes {stable_mosaic.version = 14 : i64} {
  func.func @_stage1_body(%arg0: i32, %arg1: i32, %arg2: memref<512x256xf32, #tpu.memory_space<vmem>>, %arg3: memref<256x1024xf32, #tpu.memory_space<vmem>>, %arg4: memref<1x512xf32, #tpu.memory_space<vmem>>, %arg5: memref<1x1024xf32, #tpu.memory_space<vmem>>, %arg6: memref<512x1xf32, #tpu.memory_space<vmem>>, %arg7: memref<1024x1xf32, #tpu.memory_space<vmem>>, %arg8: memref<1024x1xf32, #tpu.memory_space<vmem>>, %arg9: memref<512x1xf32, #tpu.memory_space<vmem>>, %arg10: memref<2x512xi32, #tpu.memory_space<vmem>>, %arg11: memref<2x16384xi32, #tpu.memory_space<vmem>>, %arg12: memref<2x512xf32, #tpu.memory_space<vmem>>, %arg13: memref<2x512xf32, #tpu.memory_space<vmem>>, %arg14: memref<2x16384xf32, #tpu.memory_space<vmem>>, %arg15: memref<2x16384xf32, #tpu.memory_space<vmem>>) attributes {dimension_semantics = [#tpu.dimension_semantics<arbitrary>, #tpu.dimension_semantics<arbitrary>], iteration_bounds = array<i64: 32, 16>, scalar_prefetch = 0 : i64, scratch_operands = 4 : i64, tpu.core_type = #tpu.core_type<tc>, window_params = [{transform_indices = @transform_0, window_bounds = array<i64: 512, 256>}, {transform_indices = @transform_1, window_bounds = array<i64: 256, 1024>}, {transform_indices = @transform_2, window_bounds = array<i64: 1, 512>}, {transform_indices = @transform_3, window_bounds = array<i64: 1, 1024>}, {transform_indices = @transform_4, window_bounds = array<i64: 512, 1>}, {transform_indices = @transform_5, window_bounds = array<i64: 1024, 1>}, {pipeline_mode = #tpu.pipeline_mode<synchronous>, transform_indices = @transform_6, window_bounds = array<i64: 1024, 1>}, {pipeline_mode = #tpu.pipeline_mode<synchronous>, transform_indices = @transform_7, window_bounds = array<i64: 512, 1>}, {transform_indices = @transform_8, window_bounds = array<i64: 2, 512>}, {pipeline_mode = #tpu.pipeline_mode<synchronous>, transform_indices = @transform_9, window_bounds = array<i64: 2, 16384>}]} {
    %get3A = arith.constant 0 : index
    %get3A_0 = arith.constant 0 : index
    %get3A_1 = vector.load %arg2[%get3A, %get3A_0] : memref<512x256xf32, #tpu.memory_space<vmem>>, vector<512x256xf32>
    %get3A_2 = arith.constant 0 : index
    %get3A_3 = arith.constant 0 : index
    %get3A_4 = vector.load %arg3[%get3A_2, %get3A_3] : memref<256x1024xf32, #tpu.memory_space<vmem>>, vector<256x1024xf32>
    %dot_general3A = arith.constant dense<0.000000e+00> : vector<512x1024xf32>
    %dot_general3A_5 = tpu.matmul %get3A_1, %get3A_4, %dot_general3A {dimension_numbers = #tpu.dot_dimension_numbers<[1], [0], [0], [1], [0, 0, 1, 1], [], []>, transpose_lhs_hint = false} : vector<512x256xf32>, vector<256x1024xf32>, vector<512x1024xf32> -> vector<512x1024xf32>
    %dot_general3A_6 = arith.constant dense<0.000000e+00> : vector<1024x512xf32>
    %dot_general3A_7 = tpu.matmul %get3A_4, %get3A_1, %dot_general3A_6 {dimension_numbers = #tpu.dot_dimension_numbers<[0], [1], [1], [0], [0, 1, 1, 0], [], []>, transpose_lhs_hint = false} : vector<256x1024xf32>, vector<512x256xf32>, vector<1024x512xf32> -> vector<1024x512xf32>
    %get3A_8 = arith.constant 0 : index
    %get3A_9 = arith.constant 0 : index
    %get3A_10 = vector.load %arg4[%get3A_8, %get3A_9] : memref<1x512xf32, #tpu.memory_space<vmem>>, vector<1x512xf32>
    %get3A_11 = arith.constant 0 : index
    %get3A_12 = arith.constant 0 : index
    %get3A_13 = vector.load %arg5[%get3A_11, %get3A_12] : memref<1x1024xf32, #tpu.memory_space<vmem>>, vector<1x1024xf32>
    %get3A_14 = arith.constant 0 : index
    %get3A_15 = arith.constant 0 : index
    %get3A_16 = vector.load %arg6[%get3A_14, %get3A_15] : memref<512x1xf32, #tpu.memory_space<vmem>>, vector<512x1xf32>
    %get3A_17 = arith.constant 0 : index
    %get3A_18 = arith.constant 0 : index
    %get3A_19 = vector.load %arg7[%get3A_17, %get3A_18] : memref<1024x1xf32, #tpu.memory_space<vmem>>, vector<1024x1xf32>
    %add3A = vector.broadcast %get3A_10 : vector<1x512xf32> to vector<1024x512xf32>
    %add3A_20 = arith.addf %add3A, %dot_general3A_7 : vector<1024x512xf32>
    %add3A_21 = vector.broadcast %get3A_19 : vector<1024x1xf32> to vector<1024x512xf32>
    %add3A_22 = arith.addf %add3A_20, %add3A_21 : vector<1024x512xf32>
    %add3A_23 = vector.broadcast %get3A_13 : vector<1x1024xf32> to vector<512x1024xf32>
    %add3A_24 = arith.addf %add3A_23, %dot_general3A_5 : vector<512x1024xf32>
    %add3A_25 = vector.broadcast %get3A_16 : vector<512x1xf32> to vector<512x1024xf32>
    %add3A_26 = arith.addf %add3A_24, %add3A_25 : vector<512x1024xf32>
    %get3A_27 = arith.constant 0 : index
    %get3A_28 = arith.constant 0 : index
    %get3A_29 = vector.load %arg8[%get3A_27, %get3A_28] : memref<1024x1xf32, #tpu.memory_space<vmem>>, vector<1024x1xf32>
    %reduce_min3A = arith.constant dense<0x7F800000> : vector<512xf32>
    %reduce_min3A_30 = vector.multi_reduction <minimumf>, %add3A_22, %reduce_min3A [0] : vector<1024x512xf32> to vector<512xf32>
    %broadcast_in_dim3A = vector.shape_cast %reduce_min3A_30 : vector<512xf32> to vector<1x512xf32>
    %eq3A = vector.broadcast %broadcast_in_dim3A : vector<1x512xf32> to vector<1024x512xf32>
    %eq3A_31 = arith.cmpf oeq, %add3A_22, %eq3A : vector<1024x512xf32>
    %jit3A = arith.constant 1.024000e+03 : f32
    %broadcast_in_dim3A_32 = vector.shape_cast %get3A_29 : vector<1024x1xf32> to vector<1024x1xf32>
    %broadcast_in_dim3A_33 = vector.broadcast %broadcast_in_dim3A_32 : vector<1024x1xf32> to vector<1024x512xf32>
    %broadcast_in_dim3A_34 = vector.broadcast %jit3A : f32 to vector<1024x512xf32>
    %select_n3A = arith.select %eq3A_31, %broadcast_in_dim3A_33, %broadcast_in_dim3A_34 : vector<1024x512xi1>, vector<1024x512xf32>
    %reduce_min3A_35 = arith.constant dense<0x7F800000> : vector<512xf32>
    %reduce_min3A_36 = vector.multi_reduction <minimumf>, %select_n3A, %reduce_min3A_35 [0] : vector<1024x512xf32> to vector<512xf32>
    %broadcast_in_dim3A_37 = vector.shape_cast %reduce_min3A_36 : vector<512xf32> to vector<1x512xf32>
    %eq3A_38 = vector.broadcast %get3A_29 : vector<1024x1xf32> to vector<1024x512xf32>
    %eq3A_39 = vector.broadcast %broadcast_in_dim3A_37 : vector<1x512xf32> to vector<1024x512xf32>
    %eq3A_40 = arith.cmpf oeq, %eq3A_38, %eq3A_39 : vector<1024x512xf32>
    %jit3A_41 = arith.constant 3.000000e+38 : f32
    %broadcast_in_dim3A_42 = vector.broadcast %jit3A_41 : f32 to vector<1024x512xf32>
    %select_n3A_43 = arith.select %eq3A_40, %broadcast_in_dim3A_42, %add3A_22 : vector<1024x512xi1>, vector<1024x512xf32>
    %reduce_min3A_44 = arith.constant dense<0x7F800000> : vector<512xf32>
    %reduce_min3A_45 = vector.multi_reduction <minimumf>, %select_n3A_43, %reduce_min3A_44 [0] : vector<1024x512xf32> to vector<512xf32>
    %broadcast_in_dim3A_46 = vector.shape_cast %reduce_min3A_45 : vector<512xf32> to vector<1x512xf32>
    %eq3A_47 = vector.broadcast %broadcast_in_dim3A_46 : vector<1x512xf32> to vector<1024x512xf32>
    %eq3A_48 = arith.cmpf oeq, %select_n3A_43, %eq3A_47 : vector<1024x512xf32>
    %jit3A_49 = arith.constant 1.024000e+03 : f32
    %broadcast_in_dim3A_50 = vector.shape_cast %get3A_29 : vector<1024x1xf32> to vector<1024x1xf32>
    %broadcast_in_dim3A_51 = vector.broadcast %broadcast_in_dim3A_50 : vector<1024x1xf32> to vector<1024x512xf32>
    %broadcast_in_dim3A_52 = vector.broadcast %jit3A_49 : f32 to vector<1024x512xf32>
    %select_n3A_53 = arith.select %eq3A_48, %broadcast_in_dim3A_51, %broadcast_in_dim3A_52 : vector<1024x512xi1>, vector<1024x512xf32>
    %reduce_min3A_54 = arith.constant dense<0x7F800000> : vector<512xf32>
    %reduce_min3A_55 = vector.multi_reduction <minimumf>, %select_n3A_53, %reduce_min3A_54 [0] : vector<1024x512xf32> to vector<512xf32>
    %mul3A = arith.constant 1024 : i32
    %mul3A_56 = arith.muli %arg1, %mul3A : i32
    %convert_element_type3A = arith.sitofp %mul3A_56 : i32 to f32
    %add3A_57 = vector.broadcast %convert_element_type3A : f32 to vector<512xf32>
    %add3A_58 = arith.addf %reduce_min3A_36, %add3A_57 : vector<512xf32>
    %mul3A_59 = arith.constant 1024 : i32
    %mul3A_60 = arith.muli %arg1, %mul3A_59 : i32
    %convert_element_type3A_61 = arith.sitofp %mul3A_60 : i32 to f32
    %add3A_62 = vector.broadcast %convert_element_type3A_61 : f32 to vector<512xf32>
    %add3A_63 = arith.addf %reduce_min3A_55, %add3A_62 : vector<512xf32>
    %eq3A_64 = arith.constant 0 : i32
    %eq3A_65 = arith.cmpi eq, %arg1, %eq3A_64 : i32
    %get3A_66 = arith.constant 0 : index
    %get3A_67 = arith.constant 0 : index
    %get3A_68 = vector.load %arg12[%get3A_66, %get3A_67] : memref<2x512xf32, #tpu.memory_space<vmem>>, vector<1x512xf32>
    %get3A_69 = vector.shape_cast %get3A_68 : vector<1x512xf32> to vector<512xf32>
    %jit3A_70 = arith.constant 3.000000e+38 : f32
    %broadcast_in_dim3A_71 = vector.broadcast %jit3A_70 : f32 to vector<512xf32>
    %select_n3A_72 = arith.select %eq3A_65, %broadcast_in_dim3A_71, %get3A_69 : vector<512xf32>
    %eq3A_73 = arith.constant 0 : i32
    %eq3A_74 = arith.cmpi eq, %arg1, %eq3A_73 : i32
    %get3A_75 = arith.constant 1 : index
    %get3A_76 = arith.constant 0 : index
    %get3A_77 = vector.load %arg12[%get3A_75, %get3A_76] : memref<2x512xf32, #tpu.memory_space<vmem>>, vector<1x512xf32>
    %get3A_78 = vector.shape_cast %get3A_77 : vector<1x512xf32> to vector<512xf32>
    %jit3A_79 = arith.constant 3.000000e+38 : f32
    %broadcast_in_dim3A_80 = vector.broadcast %jit3A_79 : f32 to vector<512xf32>
    %select_n3A_81 = arith.select %eq3A_74, %broadcast_in_dim3A_80, %get3A_78 : vector<512xf32>
    %eq3A_82 = arith.constant 0 : i32
    %eq3A_83 = arith.cmpi eq, %arg1, %eq3A_82 : i32
    %get3A_84 = arith.constant 0 : index
    %get3A_85 = arith.constant 0 : index
    %get3A_86 = vector.load %arg13[%get3A_84, %get3A_85] : memref<2x512xf32, #tpu.memory_space<vmem>>, vector<1x512xf32>
    %get3A_87 = vector.shape_cast %get3A_86 : vector<1x512xf32> to vector<512xf32>
    %jit3A_88 = arith.constant 0.000000e+00 : f32
    %broadcast_in_dim3A_89 = vector.broadcast %jit3A_88 : f32 to vector<512xf32>
    %select_n3A_90 = arith.select %eq3A_83, %broadcast_in_dim3A_89, %get3A_87 : vector<512xf32>
    %eq3A_91 = arith.constant 0 : i32
    %eq3A_92 = arith.cmpi eq, %arg1, %eq3A_91 : i32
    %get3A_93 = arith.constant 1 : index
    %get3A_94 = arith.constant 0 : index
    %get3A_95 = vector.load %arg13[%get3A_93, %get3A_94] : memref<2x512xf32, #tpu.memory_space<vmem>>, vector<1x512xf32>
    %get3A_96 = vector.shape_cast %get3A_95 : vector<1x512xf32> to vector<512xf32>
    %jit3A_97 = arith.constant 0.000000e+00 : f32
    %broadcast_in_dim3A_98 = vector.broadcast %jit3A_97 : f32 to vector<512xf32>
    %select_n3A_99 = arith.select %eq3A_92, %broadcast_in_dim3A_98, %get3A_96 : vector<512xf32>
    %le3A = arith.cmpf ole, %select_n3A_72, %reduce_min3A_30 : vector<512xf32>
    %select_n3A_100 = arith.select %le3A, %select_n3A_72, %reduce_min3A_30 : vector<512xi1>, vector<512xf32>
    %select_n3A_101 = arith.select %le3A, %select_n3A_90, %add3A_58 : vector<512xi1>, vector<512xf32>
    %select_n3A_102 = arith.select %le3A, %reduce_min3A_30, %select_n3A_72 : vector<512xi1>, vector<512xf32>
    %select_n3A_103 = arith.select %le3A, %add3A_58, %select_n3A_90 : vector<512xi1>, vector<512xf32>
    %le3A_104 = arith.cmpf ole, %select_n3A_81, %reduce_min3A_45 : vector<512xf32>
    %select_n3A_105 = arith.select %le3A_104, %select_n3A_81, %reduce_min3A_45 : vector<512xi1>, vector<512xf32>
    %select_n3A_106 = arith.select %le3A_104, %select_n3A_99, %add3A_63 : vector<512xi1>, vector<512xf32>
    %le3A_107 = arith.cmpf ole, %select_n3A_102, %select_n3A_105 : vector<512xf32>
    %select_n3A_108 = arith.select %le3A_107, %select_n3A_102, %select_n3A_105 : vector<512xi1>, vector<512xf32>
    %select_n3A_109 = arith.select %le3A_107, %select_n3A_103, %select_n3A_106 : vector<512xi1>, vector<512xf32>
    %swap3A = arith.constant 0 : index
    %swap3A_110 = arith.constant 0 : index
    %swap3A_111 = vector.load %arg12[%swap3A, %swap3A_110] : memref<2x512xf32, #tpu.memory_space<vmem>>, vector<1x512xf32>
    %swap3A_112 = vector.shape_cast %swap3A_111 : vector<1x512xf32> to vector<512xf32>
    %swap3A_113 = vector.shape_cast %select_n3A_100 : vector<512xf32> to vector<1x512xf32>
    tpu.vector_store %arg12[%swap3A, %swap3A_110], %swap3A_113 {strides = array<i32>} : memref<2x512xf32, #tpu.memory_space<vmem>>, vector<1x512xf32>,
    %swap3A_114 = arith.constant 1 : index
    %swap3A_115 = arith.constant 0 : index
    %swap3A_116 = vector.load %arg12[%swap3A_114, %swap3A_115] : memref<2x512xf32, #tpu.memory_space<vmem>>, vector<1x512xf32>
    %swap3A_117 = vector.shape_cast %swap3A_116 : vector<1x512xf32> to vector<512xf32>
    %swap3A_118 = vector.shape_cast %select_n3A_108 : vector<512xf32> to vector<1x512xf32>
    tpu.vector_store %arg12[%swap3A_114, %swap3A_115], %swap3A_118 {strides = array<i32>} : memref<2x512xf32, #tpu.memory_space<vmem>>, vector<1x512xf32>,
    %swap3A_119 = arith.constant 0 : index
    %swap3A_120 = arith.constant 0 : index
    %swap3A_121 = vector.load %arg13[%swap3A_119, %swap3A_120] : memref<2x512xf32, #tpu.memory_space<vmem>>, vector<1x512xf32>
    %swap3A_122 = vector.shape_cast %swap3A_121 : vector<1x512xf32> to vector<512xf32>
    %swap3A_123 = vector.shape_cast %select_n3A_101 : vector<512xf32> to vector<1x512xf32>
    tpu.vector_store %arg13[%swap3A_119, %swap3A_120], %swap3A_123 {strides = array<i32>} : memref<2x512xf32, #tpu.memory_space<vmem>>, vector<1x512xf32>,
    %swap3A_124 = arith.constant 1 : index
    %swap3A_125 = arith.constant 0 : index
    %swap3A_126 = vector.load %arg13[%swap3A_124, %swap3A_125] : memref<2x512xf32, #tpu.memory_space<vmem>>, vector<1x512xf32>
    %swap3A_127 = vector.shape_cast %swap3A_126 : vector<1x512xf32> to vector<512xf32>
    %swap3A_128 = vector.shape_cast %select_n3A_109 : vector<512xf32> to vector<1x512xf32>
    tpu.vector_store %arg13[%swap3A_124, %swap3A_125], %swap3A_128 {strides = array<i32>} : memref<2x512xf32, #tpu.memory_space<vmem>>, vector<1x512xf32>,
    %eq3A_129 = arith.constant 15 : i32
    %eq3A_130 = arith.cmpi eq, %arg1, %eq3A_129 : i32
    %convert_element_type3A_131 = arith.extui %eq3A_130 : i1 to i32
    %cond3A = arith.constant 0 : i32
    %cond3A_132 = arith.cmpi ne, %convert_element_type3A_131, %cond3A : i32
    scf.if %cond3A_132 {
      %convert_element_type3A_251 = arith.fptosi %select_n3A_101 : vector<512xf32> to vector<512xi32>
      %swap3A_252 = arith.constant 0 : index
      %swap3A_253 = arith.constant 0 : index
      %swap3A_254 = vector.load %arg10[%swap3A_252, %swap3A_253] : memref<2x512xi32, #tpu.memory_space<vmem>>, vector<1x512xi32>
      %swap3A_255 = vector.shape_cast %swap3A_254 : vector<1x512xi32> to vector<512xi32>
      %swap3A_256 = vector.shape_cast %convert_element_type3A_251 : vector<512xi32> to vector<1x512xi32>
      tpu.vector_store %arg10[%swap3A_252, %swap3A_253], %swap3A_256 {strides = array<i32>} : memref<2x512xi32, #tpu.memory_space<vmem>>, vector<1x512xi32>,
      %convert_element_type3A_257 = arith.fptosi %select_n3A_109 : vector<512xf32> to vector<512xi32>
      %swap3A_258 = arith.constant 1 : index
      %swap3A_259 = arith.constant 0 : index
      %swap3A_260 = vector.load %arg10[%swap3A_258, %swap3A_259] : memref<2x512xi32, #tpu.memory_space<vmem>>, vector<1x512xi32>
      %swap3A_261 = vector.shape_cast %swap3A_260 : vector<1x512xi32> to vector<512xi32>
      %swap3A_262 = vector.shape_cast %convert_element_type3A_257 : vector<512xi32> to vector<1x512xi32>
      tpu.vector_store %arg10[%swap3A_258, %swap3A_259], %swap3A_262 {strides = array<i32>} : memref<2x512xi32, #tpu.memory_space<vmem>>, vector<1x512xi32>,
    } else {
    }
    %get3A_133 = arith.constant 0 : index
    %get3A_134 = arith.constant 0 : index
    %get3A_135 = vector.load %arg9[%get3A_133, %get3A_134] : memref<512x1xf32, #tpu.memory_space<vmem>>, vector<512x1xf32>
    %reduce_min3A_136 = arith.constant dense<0x7F800000> : vector<1024xf32>
    %reduce_min3A_137 = vector.multi_reduction <minimumf>, %add3A_26, %reduce_min3A_136 [0] : vector<512x1024xf32> to vector<1024xf32>
    %broadcast_in_dim3A_138 = vector.shape_cast %reduce_min3A_137 : vector<1024xf32> to vector<1x1024xf32>
    %eq3A_139 = vector.broadcast %broadcast_in_dim3A_138 : vector<1x1024xf32> to vector<512x1024xf32>
    %eq3A_140 = arith.cmpf oeq, %add3A_26, %eq3A_139 : vector<512x1024xf32>
    %jit3A_141 = arith.constant 5.120000e+02 : f32
    %broadcast_in_dim3A_142 = vector.shape_cast %get3A_135 : vector<512x1xf32> to vector<512x1xf32>
    %broadcast_in_dim3A_143 = vector.broadcast %broadcast_in_dim3A_142 : vector<512x1xf32> to vector<512x1024xf32>
    %broadcast_in_dim3A_144 = vector.broadcast %jit3A_141 : f32 to vector<512x1024xf32>
    %select_n3A_145 = arith.select %eq3A_140, %broadcast_in_dim3A_143, %broadcast_in_dim3A_144 : vector<512x1024xi1>, vector<512x1024xf32>
    %reduce_min3A_146 = arith.constant dense<0x7F800000> : vector<1024xf32>
    %reduce_min3A_147 = vector.multi_reduction <minimumf>, %select_n3A_145, %reduce_min3A_146 [0] : vector<512x1024xf32> to vector<1024xf32>
    %broadcast_in_dim3A_148 = vector.shape_cast %reduce_min3A_147 : vector<1024xf32> to vector<1x1024xf32>
    %eq3A_149 = vector.broadcast %get3A_135 : vector<512x1xf32> to vector<512x1024xf32>
    %eq3A_150 = vector.broadcast %broadcast_in_dim3A_148 : vector<1x1024xf32> to vector<512x1024xf32>
    %eq3A_151 = arith.cmpf oeq, %eq3A_149, %eq3A_150 : vector<512x1024xf32>
    %jit3A_152 = arith.constant 3.000000e+38 : f32
    %broadcast_in_dim3A_153 = vector.broadcast %jit3A_152 : f32 to vector<512x1024xf32>
    %select_n3A_154 = arith.select %eq3A_151, %broadcast_in_dim3A_153, %add3A_26 : vector<512x1024xi1>, vector<512x1024xf32>
    %reduce_min3A_155 = arith.constant dense<0x7F800000> : vector<1024xf32>
    %reduce_min3A_156 = vector.multi_reduction <minimumf>, %select_n3A_154, %reduce_min3A_155 [0] : vector<512x1024xf32> to vector<1024xf32>
    %broadcast_in_dim3A_157 = vector.shape_cast %reduce_min3A_156 : vector<1024xf32> to vector<1x1024xf32>
    %eq3A_158 = vector.broadcast %broadcast_in_dim3A_157 : vector<1x1024xf32> to vector<512x1024xf32>
    %eq3A_159 = arith.cmpf oeq, %select_n3A_154, %eq3A_158 : vector<512x1024xf32>
    %jit3A_160 = arith.constant 5.120000e+02 : f32
    %broadcast_in_dim3A_161 = vector.shape_cast %get3A_135 : vector<512x1xf32> to vector<512x1xf32>
    %broadcast_in_dim3A_162 = vector.broadcast %broadcast_in_dim3A_161 : vector<512x1xf32> to vector<512x1024xf32>
    %broadcast_in_dim3A_163 = vector.broadcast %jit3A_160 : f32 to vector<512x1024xf32>
    %select_n3A_164 = arith.select %eq3A_159, %broadcast_in_dim3A_162, %broadcast_in_dim3A_163 : vector<512x1024xi1>, vector<512x1024xf32>
    %reduce_min3A_165 = arith.constant dense<0x7F800000> : vector<1024xf32>
    %reduce_min3A_166 = vector.multi_reduction <minimumf>, %select_n3A_164, %reduce_min3A_165 [0] : vector<512x1024xf32> to vector<1024xf32>
    %mul3A_167 = arith.constant 512 : i32
    %mul3A_168 = arith.muli %arg0, %mul3A_167 : i32
    %convert_element_type3A_169 = arith.sitofp %mul3A_168 : i32 to f32
    %add3A_170 = vector.broadcast %convert_element_type3A_169 : f32 to vector<1024xf32>
    %add3A_171 = arith.addf %reduce_min3A_147, %add3A_170 : vector<1024xf32>
    %mul3A_172 = arith.constant 512 : i32
    %mul3A_173 = arith.muli %arg0, %mul3A_172 : i32
    %convert_element_type3A_174 = arith.sitofp %mul3A_173 : i32 to f32
    %add3A_175 = vector.broadcast %convert_element_type3A_174 : f32 to vector<1024xf32>
    %add3A_176 = arith.addf %reduce_min3A_166, %add3A_175 : vector<1024xf32>
    %mul3A_177 = arith.constant 1024 : i32
    %mul3A_178 = arith.muli %arg1, %mul3A_177 : i32
    %multiple_of3A = tpu.assume_multiple %mul3A_178, 1024 : i32
    %eq3A_179 = arith.constant 0 : i32
    %eq3A_180 = arith.cmpi eq, %arg0, %eq3A_179 : i32
    %get3A_181 = arith.constant 0 : index
    %get3A_182 = arith.index_cast %multiple_of3A : i32 to index
    %get3A_183 = vector.load %arg14[%get3A_181, %get3A_182] : memref<2x16384xf32, #tpu.memory_space<vmem>>, vector<1x1024xf32>
    %get3A_184 = vector.shape_cast %get3A_183 : vector<1x1024xf32> to vector<1024xf32>
    %jit3A_185 = arith.constant 3.000000e+38 : f32
    %broadcast_in_dim3A_186 = vector.broadcast %jit3A_185 : f32 to vector<1024xf32>
    %select_n3A_187 = arith.select %eq3A_180, %broadcast_in_dim3A_186, %get3A_184 : vector<1024xf32>
    %eq3A_188 = arith.constant 0 : i32
    %eq3A_189 = arith.cmpi eq, %arg0, %eq3A_188 : i32
    %get3A_190 = arith.constant 1 : index
    %get3A_191 = arith.index_cast %multiple_of3A : i32 to index
    %get3A_192 = vector.load %arg14[%get3A_190, %get3A_191] : memref<2x16384xf32, #tpu.memory_space<vmem>>, vector<1x1024xf32>
    %get3A_193 = vector.shape_cast %get3A_192 : vector<1x1024xf32> to vector<1024xf32>
    %jit3A_194 = arith.constant 3.000000e+38 : f32
    %broadcast_in_dim3A_195 = vector.broadcast %jit3A_194 : f32 to vector<1024xf32>
    %select_n3A_196 = arith.select %eq3A_189, %broadcast_in_dim3A_195, %get3A_193 : vector<1024xf32>
    %eq3A_197 = arith.constant 0 : i32
    %eq3A_198 = arith.cmpi eq, %arg0, %eq3A_197 : i32
    %get3A_199 = arith.constant 0 : index
    %get3A_200 = arith.index_cast %multiple_of3A : i32 to index
    %get3A_201 = vector.load %arg15[%get3A_199, %get3A_200] : memref<2x16384xf32, #tpu.memory_space<vmem>>, vector<1x1024xf32>
    %get3A_202 = vector.shape_cast %get3A_201 : vector<1x1024xf32> to vector<1024xf32>
    %jit3A_203 = arith.constant 0.000000e+00 : f32
    %broadcast_in_dim3A_204 = vector.broadcast %jit3A_203 : f32 to vector<1024xf32>
    %select_n3A_205 = arith.select %eq3A_198, %broadcast_in_dim3A_204, %get3A_202 : vector<1024xf32>
    %eq3A_206 = arith.constant 0 : i32
    %eq3A_207 = arith.cmpi eq, %arg0, %eq3A_206 : i32
    %get3A_208 = arith.constant 1 : index
    %get3A_209 = arith.index_cast %multiple_of3A : i32 to index
    %get3A_210 = vector.load %arg15[%get3A_208, %get3A_209] : memref<2x16384xf32, #tpu.memory_space<vmem>>, vector<1x1024xf32>
    %get3A_211 = vector.shape_cast %get3A_210 : vector<1x1024xf32> to vector<1024xf32>
    %jit3A_212 = arith.constant 0.000000e+00 : f32
    %broadcast_in_dim3A_213 = vector.broadcast %jit3A_212 : f32 to vector<1024xf32>
    %select_n3A_214 = arith.select %eq3A_207, %broadcast_in_dim3A_213, %get3A_211 : vector<1024xf32>
    %le3A_215 = arith.cmpf ole, %select_n3A_187, %reduce_min3A_137 : vector<1024xf32>
    %select_n3A_216 = arith.select %le3A_215, %select_n3A_187, %reduce_min3A_137 : vector<1024xi1>, vector<1024xf32>
    %select_n3A_217 = arith.select %le3A_215, %select_n3A_205, %add3A_171 : vector<1024xi1>, vector<1024xf32>
    %select_n3A_218 = arith.select %le3A_215, %reduce_min3A_137, %select_n3A_187 : vector<1024xi1>, vector<1024xf32>
    %select_n3A_219 = arith.select %le3A_215, %add3A_171, %select_n3A_205 : vector<1024xi1>, vector<1024xf32>
    %le3A_220 = arith.cmpf ole, %select_n3A_196, %reduce_min3A_156 : vector<1024xf32>
    %select_n3A_221 = arith.select %le3A_220, %select_n3A_196, %reduce_min3A_156 : vector<1024xi1>, vector<1024xf32>
    %select_n3A_222 = arith.select %le3A_220, %select_n3A_214, %add3A_176 : vector<1024xi1>, vector<1024xf32>
    %le3A_223 = arith.cmpf ole, %select_n3A_218, %select_n3A_221 : vector<1024xf32>
    %select_n3A_224 = arith.select %le3A_223, %select_n3A_218, %select_n3A_221 : vector<1024xi1>, vector<1024xf32>
    %select_n3A_225 = arith.select %le3A_223, %select_n3A_219, %select_n3A_222 : vector<1024xi1>, vector<1024xf32>
    %swap3A_226 = arith.constant 0 : index
    %swap3A_227 = arith.index_cast %multiple_of3A : i32 to index
    %swap3A_228 = vector.load %arg14[%swap3A_226, %swap3A_227] : memref<2x16384xf32, #tpu.memory_space<vmem>>, vector<1x1024xf32>
    %swap3A_229 = vector.shape_cast %swap3A_228 : vector<1x1024xf32> to vector<1024xf32>
    %swap3A_230 = vector.shape_cast %select_n3A_216 : vector<1024xf32> to vector<1x1024xf32>
    tpu.vector_store %arg14[%swap3A_226, %swap3A_227], %swap3A_230 {strides = array<i32>} : memref<2x16384xf32, #tpu.memory_space<vmem>>, vector<1x1024xf32>,
    %swap3A_231 = arith.constant 1 : index
    %swap3A_232 = arith.index_cast %multiple_of3A : i32 to index
    %swap3A_233 = vector.load %arg14[%swap3A_231, %swap3A_232] : memref<2x16384xf32, #tpu.memory_space<vmem>>, vector<1x1024xf32>
    %swap3A_234 = vector.shape_cast %swap3A_233 : vector<1x1024xf32> to vector<1024xf32>
    %swap3A_235 = vector.shape_cast %select_n3A_224 : vector<1024xf32> to vector<1x1024xf32>
    tpu.vector_store %arg14[%swap3A_231, %swap3A_232], %swap3A_235 {strides = array<i32>} : memref<2x16384xf32, #tpu.memory_space<vmem>>, vector<1x1024xf32>,
    %swap3A_236 = arith.constant 0 : index
    %swap3A_237 = arith.index_cast %multiple_of3A : i32 to index
    %swap3A_238 = vector.load %arg15[%swap3A_236, %swap3A_237] : memref<2x16384xf32, #tpu.memory_space<vmem>>, vector<1x1024xf32>
    %swap3A_239 = vector.shape_cast %swap3A_238 : vector<1x1024xf32> to vector<1024xf32>
    %swap3A_240 = vector.shape_cast %select_n3A_217 : vector<1024xf32> to vector<1x1024xf32>
    tpu.vector_store %arg15[%swap3A_236, %swap3A_237], %swap3A_240 {strides = array<i32>} : memref<2x16384xf32, #tpu.memory_space<vmem>>, vector<1x1024xf32>,
    %swap3A_241 = arith.constant 1 : index
    %swap3A_242 = arith.index_cast %multiple_of3A : i32 to index
    %swap3A_243 = vector.load %arg15[%swap3A_241, %swap3A_242] : memref<2x16384xf32, #tpu.memory_space<vmem>>, vector<1x1024xf32>
    %swap3A_244 = vector.shape_cast %swap3A_243 : vector<1x1024xf32> to vector<1024xf32>
    %swap3A_245 = vector.shape_cast %select_n3A_225 : vector<1024xf32> to vector<1x1024xf32>
    tpu.vector_store %arg15[%swap3A_241, %swap3A_242], %swap3A_245 {strides = array<i32>} : memref<2x16384xf32, #tpu.memory_space<vmem>>, vector<1x1024xf32>,
    %eq3A_246 = arith.constant 31 : i32
    %eq3A_247 = arith.cmpi eq, %arg0, %eq3A_246 : i32
    %convert_element_type3A_248 = arith.extui %eq3A_247 : i1 to i32
    %cond3A_249 = arith.constant 0 : i32
    %cond3A_250 = arith.cmpi ne, %convert_element_type3A_248, %cond3A_249 : i32
    scf.if %cond3A_250 {
      %convert_element_type3A_251 = arith.fptosi %select_n3A_217 : vector<1024xf32> to vector<1024xi32>
      %swap3A_252 = arith.constant 0 : index
      %swap3A_253 = arith.index_cast %multiple_of3A : i32 to index
      %swap3A_254 = vector.load %arg11[%swap3A_252, %swap3A_253] : memref<2x16384xi32, #tpu.memory_space<vmem>>, vector<1x1024xi32>
      %swap3A_255 = vector.shape_cast %swap3A_254 : vector<1x1024xi32> to vector<1024xi32>
      %swap3A_256 = vector.shape_cast %convert_element_type3A_251 : vector<1024xi32> to vector<1x1024xi32>
      tpu.vector_store %arg11[%swap3A_252, %swap3A_253], %swap3A_256 {strides = array<i32>} : memref<2x16384xi32, #tpu.memory_space<vmem>>, vector<1x1024xi32>,
      %convert_element_type3A_257 = arith.fptosi %select_n3A_225 : vector<1024xf32> to vector<1024xi32>
      %swap3A_258 = arith.constant 1 : index
      %swap3A_259 = arith.index_cast %multiple_of3A : i32 to index
      %swap3A_260 = vector.load %arg11[%swap3A_258, %swap3A_259] : memref<2x16384xi32, #tpu.memory_space<vmem>>, vector<1x1024xi32>
      %swap3A_261 = vector.shape_cast %swap3A_260 : vector<1x1024xi32> to vector<1024xi32>
      %swap3A_262 = vector.shape_cast %convert_element_type3A_257 : vector<1024xi32> to vector<1x1024xi32>
      tpu.vector_store %arg11[%swap3A_258, %swap3A_259], %swap3A_262 {strides = array<i32>} : memref<2x16384xi32, #tpu.memory_space<vmem>>, vector<1x1024xi32>,
    } else {
    }
    return
  }
  func.func @transform_0(%arg0: i32, %arg1: i32) -> (i32, i32) {
    %c0_i32 = arith.constant 0 : i32
    %c0_i32_0 = arith.constant 0 : i32
    return %arg0, %c0_i32 : i32, i32
  }
  func.func @transform_1(%arg0: i32, %arg1: i32) -> (i32, i32) {
    %c0_i32 = arith.constant 0 : i32
    %c0_i32_0 = arith.constant 0 : i32
    return %c0_i32, %arg1 : i32, i32
  }
  func.func @transform_2(%arg0: i32, %arg1: i32) -> (i32, i32) {
    %c0_i32 = arith.constant 0 : i32
    %c0_i32_0 = arith.constant 0 : i32
    return %c0_i32, %arg0 : i32, i32
  }
  func.func @transform_3(%arg0: i32, %arg1: i32) -> (i32, i32) {
    %c0_i32 = arith.constant 0 : i32
    %c0_i32_0 = arith.constant 0 : i32
    return %c0_i32, %arg1 : i32, i32
  }
  func.func @transform_4(%arg0: i32, %arg1: i32) -> (i32, i32) {
    %c0_i32 = arith.constant 0 : i32
    %c0_i32_0 = arith.constant 0 : i32
    return %arg0, %c0_i32 : i32, i32
  }
  func.func @transform_5(%arg0: i32, %arg1: i32) -> (i32, i32) {
    %c0_i32 = arith.constant 0 : i32
    %c0_i32_0 = arith.constant 0 : i32
    return %arg1, %c0_i32 : i32, i32
  }
  func.func @transform_6(%arg0: i32, %arg1: i32) -> (i32, i32) {
    %c0_i32 = arith.constant 0 : i32
    %c0_i32_0 = arith.constant 0 : i32
    %c0_i32_1 = arith.constant 0 : i32
    return %c0_i32, %c0_i32_0 : i32, i32
  }
  func.func @transform_7(%arg0: i32, %arg1: i32) -> (i32, i32) {
    %c0_i32 = arith.constant 0 : i32
    %c0_i32_0 = arith.constant 0 : i32
    %c0_i32_1 = arith.constant 0 : i32
    return %c0_i32, %c0_i32_0 : i32, i32
  }
  func.func @transform_8(%arg0: i32, %arg1: i32) -> (i32, i32) {
    %c0_i32 = arith.constant 0 : i32
    %c0_i32_0 = arith.constant 0 : i32
    return %c0_i32, %arg0 : i32, i32
  }
  func.func @transform_9(%arg0: i32, %arg1: i32) -> (i32, i32) {
    %c0_i32 = arith.constant 0 : i32
    %c0_i32_0 = arith.constant 0 : i32
    %c0_i32_1 = arith.constant 0 : i32
    return %c0_i32, %c0_i32_0 : i32, i32
  }
}

</mosaic_0001>

<sc_bundles>
// kernel: kernel.4.cloned.1.call-start
scs
__scs_entry_jumppad:
0x0: {  	(pc) =	sbr.rel $0x88, $3  }
0x1: {  	(tag) =	ssettag $0x0;
	lr =	simm.s32 $0x1  }
0x2: {  	[smem:$0x3F9D] =	sst lr;
	_ =	strace $0xD0000000  }
0x3: {  	_ = 	snop  }
0x4: {  	_ = 	snop  }
0x5: {  	_ = 	snop  }
0x6: {  	_ = 	snop  }
0x7: {  	_ = 	snop  }
__scs_overlays_trampoline_lowered:
0x8: {  	[smem:$0x3FAC] =	sst s0  }
0x9: {  	[smem:$0x3FAD] =	sst s1  }
0xa: {  	[smem:$0x3FAE] =	sst s2  }
0xb: {  	[smem:$0x3FAF] =	sst s3  }
0xc: {  	[smem:$0x3FB0] =	sst s4  }
0xd: {  	[smem:$0x3FB1] =	sst s5  }
0xe: {  	[smem:$0x3FB2] =	sst s6  }
0xf: {  	[smem:$0x3FB3] =	sst s7  }
0x10: {  	[smem:$0x3FB4] =	sst s8  }
0x11: {  	[smem:$0x3FB5] =	sst s9;
	s0 =	simm.s32 @!p0 $0x0  }
0x12: {  	s1 =	sld [smem:$0x3F9B];
	s0 =	simm.s32 @p0 $0x1  }
0x13: {  	[smem:$0x3FB6] =	sst s0;
	s0 =	simm.s32 @!p1 $0x0  }
0x14: {  	s2 =	sld [smem:$0x3F9A];
	s0 =	simm.s32 @p1 $0x1  }
0x15: {  	[smem:$0x3FB7] =	sst s0;
	s0 =	simm.s32 @!p2 $0x0  }
0x16: {  	s3 =	sld [smem:$0x3FDB];
	s0 =	simm.s32 @p2 $0x1  }
0x17: {  	s4 =	simm.s32 $0x1BF5;
	[smem:$0x3FB9] =	sst s0  }
0x18: {  	s0 =	sld [smem:$0x3F9C];
	_ =	swait.ge [sflag:s4], $0x0  }
0x19: {  	s7 =	sld [smem:$0x3F9D]  }
0x1a: {  	s8 =	sadd.s32 $0xFFFFE003, lr  }
0x1b: {  	s9 =	sadd.s32 $0xFFFFFEF7, lr;
	s5 =	simm.s32 $0xFFFFFFFF;
	p2 =	slt.u32 s8, $0xFFFFF086  }
0x1c: {  	p1 =	slt.u32 s9, $0xF7A;
	s5 =	simm.s32 @!p2 $0x0  }
0x1d: {  	s5 =	simm.s32 @p1 $0x1;
	p0 =	seq.s32 s7, s2  }
0x1e: {  	s7 =	smul.u32 @!p0 $0xF7A, s2;
	p2 =	seq.s32 @!p0 s5, $0x0  }
0x1f: {  	s9 =	smul.u32 $0xF7A, s1;
	s8 =	simm.s32 @!p0 $0x1BF5;
	p2 =	por !p2, p0  }
0x20: {  	[sflag:s8] =	ssyncset.s32 @!p0 $0xFFFFF086;
	s6 =	sadd.s32 @!p0 s3, s7;
	s7 =	simm.s32 @!p0 $0x108  }
0x21: {  	s3 =	sadd.s32 s3, s9;
	s6 =	sadd.s32 @!p0 $0x88, s6;
	s7 =	simm.s32 @p2 $0x1082  }
0x22: {  	[simem:s7], [sflag:s8] =	dma.local @!p0 [hbm:s6], $0xF7A  }
0x23: {  	s9 =	sor.u32 $0xD0000000, s2;
	s6 =	simm.s32 $0x108;
	_ =	swait.ge @!p0 [sflag:s8], $0x0  }
0x24: {  	s3 =	sadd.s32 $0x88, s3;
	s6 =	simm.s32 @!p1 $0x1082;
	[sflag:s4] =	ssyncset.s32 $0xFFFFF086  }
0x25: {  	[simem:s6], [sflag:s4] =	dma.local [hbm:s3], $0xF7A  }
0x26: {  	[smem:$0x3F9D] =	sst s1;
	(tag) =	ssettag s2;
	_ =	strace s9  }
0x27: {  	s1 =	sld [smem:$0x3FAD]  }
0x28: {  	s2 =	sld [smem:$0x3FAE]  }
0x29: {  	s4 =	sld [smem:$0x3FB0]  }
0x2a: {  	p0 =	seq.s32 s5, $0x0;
	s5 =	sld [smem:$0x3FB1]  }
0x2b: {  	s6 =	sld [smem:$0x3FB2]  }
0x2c: {  	s7 =	sld [smem:$0x3FB3]  }
0x2d: {  	s3 =	simm.s32 $0x108;
	s8 =	sld [smem:$0x3FB4]  }
0x2e: {  	s3 =	simm.s32 @!p0 $0x1082;
	s9 =	sld [smem:$0x3FB5]  }
0x2f: {  	lr =	sadd.s32 s0, s3;
	s0 =	sld [smem:$0x3FAC]  }
0x30: {  	s3 =	sld [smem:$0x3FAF]  }
0x31: {  	[smem:$0x3FB8] =	sst s10  }
0x32: {  	s10 =	sld [smem:$0x3FB6];
	_ =	sdelay $0x3  }
0x33: {  	p0 =	seq.s32 s10, $0x1;
	s10 =	sld [smem:$0x3FB8];
	_ =	sdelay $0x3  }
0x34: {  	[smem:$0x3FB8] =	sst s10  }
0x35: {  	s10 =	sld [smem:$0x3FB7];
	_ =	sdelay $0x3  }
0x36: {  	p1 =	seq.s32 s10, $0x1;
	s10 =	sld [smem:$0x3FB8];
	_ =	sdelay $0x3  }
0x37: {  	[smem:$0x3FB8] =	sst s10  }
0x38: {  	s10 =	sld [smem:$0x3FB9]  }
0x39: {  	_ = 	snop;
	(pc) =	sbr.ind lr, $3  }
0x3a: {  	_ = 	snop  }
0x3b: {  	_ = 	snop  }
0x3c: {  	p2 =	seq.s32 s10, $0x1;
	s10 =	sld [smem:$0x3FB8]  }
0x3d: {  	_ =	shalt  }
0x3e: {  	_ =	shalt  }
0x3f: {  	_ =	shalt  }
0x40: {  	_ =	shalt  }
0x41: {  	_ =	shalt  }
0x42: {  	_ =	shalt  }
0x43: {  	_ =	shalt  }
0x44: {  	_ =	shalt  }
0x45: {  	_ =	shalt  }
0x46: {  	_ =	shalt  }
0x47: {  	_ =	shalt  }
0x48: {  	_ =	shalt  }
0x49: {  	_ =	shalt  }
0x4a: {  	_ =	shalt  }
0x4b: {  	_ =	shalt  }
0x4c: {  	_ =	shalt  }
0x4d: {  	_ =	shalt  }
0x4e: {  	_ =	shalt  }
0x4f: {  	_ =	shalt  }
0x50: {  	_ =	shalt  }
0x51: {  	_ =	shalt  }
0x52: {  	_ =	shalt  }
0x53: {  	_ =	shalt  }
0x54: {  	_ =	shalt  }
0x55: {  	_ =	shalt  }
0x56: {  	_ =	shalt  }
0x57: {  	_ =	shalt  }
0x58: {  	_ =	shalt  }
0x59: {  	_ =	shalt  }
0x5a: {  	_ =	shalt  }
0x5b: {  	_ =	shalt  }
0x5c: {  	_ =	shalt  }
0x5d: {  	_ =	shalt  }
0x5e: {  	_ =	shalt  }
0x5f: {  	_ =	shalt  }
0x60: {  	_ =	shalt  }
0x61: {  	_ =	shalt  }
0x62: {  	_ =	shalt  }
0x63: {  	_ =	shalt  }
0x64: {  	_ =	shalt  }
0x65: {  	_ =	shalt  }
0x66: {  	_ =	shalt  }
0x67: {  	_ =	shalt  }
0x68: {  	_ =	shalt  }
0x69: {  	_ =	shalt  }
0x6a: {  	_ =	shalt  }
0x6b: {  	_ =	shalt  }
0x6c: {  	_ =	shalt  }
0x6d: {  	_ =	shalt  }
0x6e: {  	_ =	shalt  }
0x6f: {  	_ =	shalt  }
0x70: {  	_ =	shalt  }
0x71: {  	_ =	shalt  }
0x72: {  	_ =	shalt  }
0x73: {  	_ =	shalt  }
0x74: {  	_ =	shalt  }
0x75: {  	_ =	shalt  }
0x76: {  	_ =	shalt  }
0x77: {  	_ =	shalt  }
0x78: {  	_ =	shalt  }
0x79: {  	_ =	shalt  }
0x7a: {  	_ =	shalt  }
0x7b: {  	_ =	shalt  }
0x7c: {  	_ =	shalt  }
0x7d: {  	_ =	shalt  }
0x7e: {  	_ =	shalt  }
0x7f: {  	_ =	shalt  }
0x80: {  	_ =	shalt  }
0x81: {  	_ =	shalt  }
0x82: {  	_ =	shalt  }
0x83: {  	_ =	shalt  }
0x84: {  	_ =	shalt  }
0x85: {  	_ =	shalt  }
0x86: {  	_ =	shalt  }
0x87: {  	_ =	shalt  }
.Lfunc_end0:
.L_simem_size_0:
called_computation_lowered:
.L_overlay_start_0:
0x88: {  	s2 =	sld [smem:$0x3FD9]  }
0x89: {  	s3 =	sld [smem:$0x3FFE];
	_ =	sdelay $0x1  }
0x8a: {  	s1 =	srdreg.scid  }
0x8b: {  	s0 =	sand.u32 $0x1, s1  }
0x8c: {  	s14 =	sshll.u32 s0, $0xA;
	s2 =	sadd.s32 s3, s2  }
0x8d: {  	s2 =	sadd.s32 s2, s14  }
0x8e: {  	[smem:$0x3FC4] =	sst s2  }
0x8f: {  	_ = 	snop  }
0x90: {  	s2 =	sld [smem:$0x3FD0];
	_ =	sdelay $0x1  }
0x91: {  	s15 =	sld [smem:$0x3FC7]  }
0x92: {  	s5 =	simm.s32 $0xA;
	s6 =	simm.s32 $0x10;
	s4 =	sld [smem:$0x3FC6]  }
0x93: {  	[smem:s6], [sflag:s5] =	dma.local [hbm:s2], $0x1  }
0x94: {  	_ =	swait.eq [sflag:s5], $0x1  }
0x95: {  	[sflag:s5] =	ssyncset.done $0x0  }
0x96: {  	s16 =	sld [smem:$0x12];
	[sflag:s5] =	ssyncadd.s32 $0xFFFFFFFF  }
0x97: {  	s17 =	sld [smem:$0x13];
	(tm) =	ssettm $0x1  }
0x98: {  	s18 =	sld [smem:$0x3FFB];
	_ =	sdelay $0x3  }
0x99: {  	_ =	strace s18  }
0x9a: {  	s6 =	sld [smem:$0x3FFC];
	_ =	sdelay $0x3  }
0x9b: {  	_ =	strace s6  }
0x9c: {  	s6 =	sld [smem:$0x3FFD];
	_ =	sdelay $0x3  }
0x9d: {  	_ =	strace s6  }
0x9e: {  	_ =	strace $0x8FFFFFFF  }
0x9f: {  	s19 =	sld [smem:$0x3FDB];
	_ =	sdelay $0x1  }
0xa0: {  	s7 =	simm.s32 $_scs_section_size  }
0xa1: {  	s8 =	simm.s32 $_size__tile_overlayer_lowered;
	s9 =	simm.s32 $_tile_overlayer_lowered  }
0xa2: {  	s22 =	simm.s32 $0x1BFF;
	s21 =	sshll.u32 s9, $0x1;
	s6 =	sadd.s32 s7, s19  }
0xa3: {  	s10 =	simm.s32 $0x0;
	s20 =	sshll.u32 s8, $0x1;
	s8 =	sadd.s32 s21, s6  }
0xa4: {  	[timem:s10], [sflag:s22] =	dma.local [hbm:s8], s20  }
0xa5: {  	_ =	swait.ge [sflag:s22], s20  }
0xa6: {  	s7 =	ssub.s32 $0x0, s20;
	[sflag:s22] =	ssyncset.done $0x0  }
0xa7: {  	[sflag:s22] =	ssyncadd.s32 s7;
	_ =	sdelay $0x1  }
0xa8: {  	s23 =	simm.s32 $0x1B8B  }
0xa9: {  	_ =	swait.ge [sflag:s23], $0x1  }
0xaa: {  	[sflag:s23] =	ssyncset.done $0x0  }
0xab: {  	s25 =	simm.s32 $0x1B8E;
	s24 =	sld [smem:$0x3FFE];
	[sflag:s23] =	ssyncadd.s32 $0xFFFFFFFF  }
0xac: {  	s26 =	simm.s32 $execute0_lowered;
	[smem:$0x3FD2] =	sst s25  }
0xad: {  	s8 =	sshll.u32 s26, $0x1;
	_ =	strace $0x80000046;
	[dreg:$0x1] =	wrdreg $0xFFFFFFFF  }
0xae: {  	s28 =	simm.s32 $_size_execute0_lowered;
	s6 =	sadd.s32 s6, s8;
	[dreg:$0x0] =	wrdreg $0x0  }
0xaf: {  	s8 =	sshll.u32 s28, $0x1;
	[dreg:$0x2] =	wrdreg s6  }
0xb0: {  	[dreg:$0x3] =	wrdreg s8  }
0xb1: {  	[dreg:$0x4] =	wrdreg $0xC0  }
0xb2: {  	_ =	task [dreg:s10], $0x5FFFF  }
0xb3: {  	[dreg:$0x1] =	wrdreg $0xFFFFFFFF  }
0xb4: {  	[dreg:$0x0] =	wrdreg $0x60  }
0xb5: {  	[dreg:$0x2] =	wrdreg s15  }
0xb6: {  	[dreg:$0x3] =	wrdreg s4  }
0xb7: {  	[dreg:$0x4] =	wrdreg s24  }
0xb8: {  	[dreg:$0x5] =	wrdreg s16  }
0xb9: {  	[dreg:$0x6] =	wrdreg s17  }
0xba: {  	[dreg:$0x7] =	wrdreg $0x9  }
0xbb: {  	_ =	task.clear_ibuf [dreg:s10], $0x8FFFF;
	_ =	strace $0x90000046  }
0xbc: {  	s29 =	simm.s32 $0x9;
	_ =	strace $0x80000048  }
0xbd: {  	_ =	swait.ge [sflag:s29], $0x1  }
0xbe: {  	[sflag:s29] =	ssyncadd.s32 $0xFFFFFFFF  }
0xbf: {  	_ =	strace $0x90000048  }
0xc0: {  	_ =	sfence  }
0xc1: {  	s30 =	sld [smem:$0x0];
	_ =	sdelay $0x2  }
0xc2: {  	s31 =	sshll.u32 s1, $0xD;
	s1 =	sshrl.u32 s1, $0x2  }
0xc3: {  	s3 =	sand.u32 $0x4000, s31;
	s1 =	sadd.s32 s1, s30  }
0xc4: {  	s0 =	sor.u32 s3, s0;
	s1 =	sshll.u32 s1, $0x11  }
0xc5: {  	s0 =	sor.u32 s1, s0  }
0xc6: {  	s0 =	sadd.s32 $0x8F2B, s0  }
0xc7: {  	[sflag:s0] =	ssyncadd.remote.s32 $0x1  }
0xc8: {  	_ =	sfence.sel $0xFFFF  }
0xc9: {  	[dreg:$0x0] =	wrdreg $0xFFFFFFFF;
	(pc) =	sbr.abs _section_cstart, $3  }
0xca: {  	[dreg:$0x1] =	wrdreg $0xFFFFFFFF  }
0xcb: {  	_ =	task.clear_ibuf [dreg:s10], $0x2FFFF;
	_ =	strace $0x9FFFFFFF  }
0xcc: {  	(tm) =	ssettm $0x7FFFFFFF  }
0xcd: {  	_ =	shalt  }
tec
execute0_lowered:
.L_overlay_start_1:
0x0: {  	(tag) =	ssettag $0x1  }
0x1: {  	s1 =	rddreg [dreg:$0x0]  }
0x2: {  	s2 =	rddreg [dreg:$0x1]  }
0x3: {  	s5 =	rddreg [dreg:$0x2]  }
0x4: {  	s7 =	rddreg [dreg:$0x3]  }
0x5: {  	s8 =	rddreg [dreg:$0x4];
	s4 =	srdreg.scid  }
0x6: {  	s0 =	rddreg [dreg:$0x5];
	s3 =	stileid.u32  }
0x7: {  	s12 =	simm.s32 $0x100;
	s13 =	simm.s32 $0x900;
	s14 =	simm.s32 $0x1100  }
0x8: {  	s15 =	simm.s32 $0x1900;
	s16 =	simm.s32 $0x1;
	s6 =	sand.u32 $0x1, s4  }
0x9: {  	s4 =	simm.s32 $0x0;
	s9 =	sshll.u32 s3, $0x5;
	s10 =	sshll.u32 s6, $0x4  }
0xa: {  	[smem:$0x7FF] =	sst s4;
	s6 =	ssub.s32 $0x2, s6;
	s9 =	sor.u32 s10, s9  }
0xb: {  	_ =	strace $0x80000047;
	s11 =	sshrl.u32 s6, $0x1;
	s10 =	sshrl.u32 s9, $0x3  }
0xc: {  	v2 =	vlaneseq.u32;
	s9 =	sshll.u32 s9, $0x5;
	s31 =	ssub.s32 s6, s11;
	s11 =	simm.s32 $0x80  }
0xd: {  	vm0 =	vmmov $0xffff;
	v1 =	vshrl.u32 v2, $0x3;
	s5 =	sadd.s32 s5, s10;
	s7 =	sadd.s32 s7, s9;
	s8 =	sadd.s32 s8, s9  }
0xe: {  	v0 =	vand.u32 $0x7, v2;
	v2 =	vor.u32 $0x8, v2;
	v1 =	vmul.u32 $0x8, v1;
	s9 =	smax.u32 s31, $0x1;
	s10 =	simm.s32 $0x2;
	s6 =	sadd.s32 $0x200, s5  }
.LBB2_1:
0xf: {  	[tilespmem:s4], [sflag:$0x2] =	stream.linear.gather [hbm4b:s6+s4], $0x10, $0x38;
	[tilespmem:$0x2100] =	vst v63  }
0x10: {  	_ =	swait.ge [sflag:s10], $0x10  }
0x11: {  	[sflag:s10] =	ssyncset.done $0x0  }
0x12: {  	[sflag:s10] =	ssyncadd.s32 $0xFFFFFFF0  }
0x13: {  	[tilespmem:s11], [sflag:$0x2] =	stream.linear.gather [hbm4b:s5+s4], $0x10, $0x38;
	[tilespmem:$0x2100] =	vst v63  }
0x14: {  	_ =	swait.ge [sflag:s10], $0x10  }
0x15: {  	[sflag:s10] =	ssyncset.done $0x0  }
0x16: {  	[sflag:s10] =	ssyncadd.s32 $0xFFFFFFF0  }
0x17: {  	v3 =	vld [tilespmem:$0x0];
	_ =	sdelay $0x4  }
0x18: {  	v4 =	vshll.u32 v3, $0x1  }
0x19: {  	v3 =	vand.u32 $0x7, v3;
	v4 =	vand.u32 $0xFFFFFFF0, v4  }
0x1a: {  	v3 =	vor.u32 v3, v4  }
0x1b: {  	v4 =	vperm.xlane v3, v0;
	_ =	sdelay $0x1  }
0x1c: {  	v3 =	vperm.xlane v3, v2;
	v4 =	vadd.s32 v1, v4;
	_ =	sdelay $0x1  }
0x1d: {  	v3 =	vadd.s32 v1, v3;
	_ =	sdelay $0x2  }
0x1e: {  	[tilespmem:s12], [sflag:$0x1] =	stream.indirect_vreg.gather [hbm4b:s1+s4], $0x80, v4, vm0, $0xb8;
	[tilespmem:$0x2100] =	vst v63  }
0x1f: {  	_ = 	snop  }
0x20: {  	[tilespmem:s13], [sflag:$0x1] =	stream.indirect_vreg.gather [hbm4b:s1+s4], $0x80, v3, vm0, $0xb8;
	[tilespmem:$0x2100] =	vst v63  }
0x21: {  	v3 =	vld [tilespmem:$0x80];
	_ =	sdelay $0x4  }
0x22: {  	v63 =	vshll.u32 v3, $0x1  }
0x23: {  	v3 =	vand.u32 $0x7, v3;
	v4 =	vand.u32 $0xFFFFFFF0, v63  }
0x24: {  	v3 =	vor.u32 v3, v4  }
0x25: {  	v4 =	vperm.xlane v3, v0;
	_ =	sdelay $0x1  }
0x26: {  	v3 =	vperm.xlane v3, v2;
	v4 =	vadd.s32 v1, v4;
	_ =	sdelay $0x1  }
0x27: {  	v3 =	vadd.s32 v1, v3;
	_ =	sdelay $0x2  }
0x28: {  	[tilespmem:s14], [sflag:$0x1] =	stream.indirect_vreg.gather [hbm4b:s2+s4], $0x80, v4, vm0, $0xb8;
	[tilespmem:$0x2100] =	vst v63  }
0x29: {  	_ = 	snop  }
0x2a: {  	[tilespmem:s15], [sflag:$0x1] =	stream.indirect_vreg.gather [hbm4b:s2+s4], $0x80, v3, vm0, $0xb8;
	[tilespmem:$0x2100] =	vst v63  }
0x2b: {  	_ =	swait.ge [sflag:s16], $0x1000  }
0x2c: {  	[sflag:s16] =	ssyncset.done $0x0  }
0x2d: {  	[sflag:s16] =	ssyncadd.s32 $0xFFFFF000  }
0x2e: {  	_ =	swait.ge [sflag:s16], $0x1000  }
0x2f: {  	[sflag:s16] =	ssyncset.done $0x0  }
0x30: {  	[sflag:s16] =	ssyncadd.s32 $0xFFFFF000  }
0x31: {  	[hbm4b:s7+s4] =	stream.linear.scatter [tilespmem:s12], [sflag:$0x2], $0x1000, $0x38;
	[tilespmem:$0x2100] =	vst v63  }
0x32: {  	_ =	swait.ge [sflag:s10], $0x1000  }
0x33: {  	p0 =	sne.s32 s9, $0x1;
	[sflag:s10] =	ssyncset.done $0x0  }
.Ltmp0:
0x34: {  	[sflag:s10] =	ssyncadd.s32 $0xFFFFF000;
	(pc) =	sbr.rel @p0 .LBB2_1-.Ltmp0, $4  }
0x35: {  	[hbm4b:s8+s4] =	stream.linear.scatter [tilespmem:s14], [sflag:$0x2], $0x1000, $0x38;
	[tilespmem:$0x2100] =	vst v63  }
0x36: {  	_ =	swait.ge [sflag:s10], $0x1000  }
0x37: {  	[sflag:s10] =	ssyncset.done $0x0  }
0x38: {  	s9 =	sadd.s32 $0xFFFFFFFF, s9;
	[sflag:s10] =	ssyncadd.s32 $0xFFFFF000  }
0x39: {  	_ =	sfence.sel $0x180000  }
0x3a: {  	[bflag:$0x0] =	sbarrier.arrive $0xFFFF  }
0x3b: {  	p0 =	sne.s32 s3, $0x0;
	_ =	strace $0x90000047  }
0x3c: {  	s0 =	sadd.s32 @!p0 $0x100000, s0;
	[bflag:$0x2] =	sbarrier.arrive $0xFFFF  }
0x3d: {  	[sflag:s0] =	ssyncadd.tile.s32 @!p0 $0x1;
	_ =	shalt  }
.Lfunc_end2:
_tile_overlayer_lowered:
.L_overlay_start_2:
0x3e: {  	(tag) =	ssettag $0x2  }
0x3f: {  	s0 =	rddreg [dreg:$0x0];
	s2 =	stileid.u32  }
0x40: {  	s1 =	rddreg [dreg:$0x1];
	p0 =	sne.s32 s2, $0x0  }
0x41: {  	s3 =	rddreg [dreg:$0x2];
	[bflag:$0x3] =	sbarrier.arrive $0xFFFF;
	s2 =	simm.s32 @!p0 $0x1C02  }
0x42: {  	[timem:s3], [sflag:s2] =	dma.local @!p0 [hbm:s0], s1  }
0x43: {  	s0 =	simm.s32 @!p0 $0x2  }
0x44: {  	_ =	swait.ge @!p0 [sflag:s0], s1  }
0x45: {  	s1 =	ssub.s32 @!p0 $0x0, s1;
	[sflag:s0] =	ssyncset.done @!p0 $0x0  }
0x46: {  	[sflag:s0] =	ssyncadd.s32 @!p0 s1  }
0x47: {  	[bflag:$0x3] =	sbarrier.arrive $0xFFFF  }
0x48: {  	_ =	shalt  }

</sc_bundles>
